<compile_context>
chip_gen: v7x
topology: tpu7x:2x2x1
jax: 0.10.2.dev20260603
libtpu: 0.0.44.dev20260713+nightly
codegen_flags: <defaults>
</compile_context>

<pallas_src>
import functools

import jax
import jax.numpy as jnp
from jax import lax
from jax.experimental import pallas as pl
from jax.experimental.pallas import tpu as pltpu
from jax.experimental.pallas import tpu_sc as plsc

_B, _C, _T, _H, _W = 8, 3, 32, 224, 224
_NF = 4
_STRIDE = 8
_NBLK = _B * _C * _NF
_NC = 2
_NS = 16
_NW = _NC * _NS
_BLK_PER_W = _NBLK // _NW


def _sc_frame_gather(x3):
    mesh = plsc.VectorSubcoreMesh(core_axis_name="c", subcore_axis_name="s")

    @functools.partial(
        pl.kernel,
        mesh=mesh,
        out_type=jax.ShapeDtypeStruct((_NBLK, _H, _W), jnp.float32),
        scratch_types=[
            pltpu.VMEM((_H, _W), jnp.float32),
            pltpu.VMEM((_H, _W), jnp.float32),
            pltpu.SemaphoreType.DMA,
            pltpu.SemaphoreType.DMA,
            pltpu.SemaphoreType.DMA,
            pltpu.SemaphoreType.DMA,
        ],
    )
    def k(x_hbm, out_hbm, buf0, buf1, si0, si1, so0, so1):
        wid = lax.axis_index("c") * _NS + lax.axis_index("s")
        bufs = (buf0, buf1)
        sis = (si0, si1)
        sos = (so0, so1)

        def offs(kk):
            g = wid * _BLK_PER_W + kk
            bc = g // _NF
            j = g % _NF
            return bc * _T + _STRIDE * j, g

        gathers = [None, None]
        scatters = [None, None]
        for kk in range(_BLK_PER_W):
            s = kk % 2
            src, _ = offs(kk)
            if scatters[s] is not None:
                scatters[s].wait()
            gathers[s] = pltpu.async_copy(x_hbm.at[src], bufs[s], sis[s])
            if kk >= 1:
                p = (kk - 1) % 2
                gathers[p].wait()
                _, pdst = offs(kk - 1)
                scatters[p] = pltpu.async_copy(
                    bufs[p], out_hbm.at[pdst], sos[p]
                )
        last = (_BLK_PER_W - 1) % 2
        gathers[last].wait()
        _, ldst = offs(_BLK_PER_W - 1)
        scatters[last] = pltpu.async_copy(
            bufs[last], out_hbm.at[ldst], sos[last]
        )
        for s in range(2):
            if scatters[s] is not None:
                scatters[s].wait()

    return k(x3)


def kernel(x):
    x3 = x.reshape(_B * _C * _T, _H, _W)
    out = _sc_frame_gather(x3)
    return out.reshape(_B, _C, _NF, _H, _W)

# --- scband reference (transcript-rebuilt; emitter-appended) ---
"""Pipeline reference for scband-preprocessor-76854144794639 (READ-ONLY COPY).

The authoritative reference and input builder live on the scoring server;
editing this copy changes nothing except your own understanding.
"""

import jax, jax.numpy as jnp
import numpy as np

FRAMES_LIST = [0, 8, 16, 24]
TEMPORAL_DIM = 2

def setup_inputs(seed: int = 0) -> dict:
    key = jax.random.key(seed)
    x = jax.random.normal(key, (8, 3, 32, 224, 224), dtype=jnp.float32)
    return {"x": x}

def reference(x):
    # set_input_dims: T = x.shape[t_dim]; frames_list = [fr % T for fr in frames_list]
    T = x.shape[TEMPORAL_DIM]
    frames = jnp.array([fr % T for fr in FRAMES_LIST], dtype=jnp.int32)
    # get_input_frames: torch.index_select along temporal_dim
    x = jnp.take(x, frames, axis=TEMPORAL_DIM)
    # preproc_func is None -> identity; stack=False -> no reshape
    return x

if __name__ == "__main__":
    import jax
    _d = setup_inputs()
    print(jax.jit(kernel)(*tuple(_d.values())))

</pallas_src>

<mosaic_0001>
#map = affine_map<(d0, d1) -> (0, 0, 0)>
module attributes {stable_mosaic.version = 14 : i64} {
  func.func @k(%arg0: i32, %arg1: i32, %arg2: memref<768x224x224xf32, #tpu.memory_space<hbm>>, %arg3: memref<96x224x224xf32, #tpu.memory_space<hbm>>, %arg4: memref<224x224xf32, #tpu.memory_space<vmem>>, %arg5: memref<224x224xf32, #tpu.memory_space<vmem>>, %arg6: memref<!tpu.dma_semaphore, #tpu.memory_space<semaphore_mem>>, %arg7: memref<!tpu.dma_semaphore, #tpu.memory_space<semaphore_mem>>, %arg8: memref<!tpu.dma_semaphore, #tpu.memory_space<semaphore_mem>>, %arg9: memref<!tpu.dma_semaphore, #tpu.memory_space<semaphore_mem>>) attributes {dimension_semantics = [#tpu.dimension_semantics<core_parallel>, #tpu.dimension_semantics<subcore_parallel>], iteration_bounds = array<i64: 2, 16>, scalar_prefetch = 0 : i64, scratch_operands = 6 : i64, tpu.core_type = #tpu.core_type<sc_vector_subcore>, window_params = [{transform_indices = #map}, {transform_indices = #map}]} {
    %mul3A = arith.constant 16 : i32
    %mul3A_0 = arith.muli %arg0, %mul3A : i32
    %add3A = arith.addi %mul3A_0, %arg1 : i32
    %mul3A_1 = arith.constant 3 : i32
    %mul3A_2 = arith.muli %add3A, %mul3A_1 : i32
    %add3A_3 = arith.constant 0 : i32
    %add3A_4 = arith.addi %mul3A_2, %add3A_3 : i32
    %jit3A = arith.constant 4 : i32
    %div3A = arith.divsi %add3A_4, %jit3A : i32
    %sign3A = arith.constant 0 : i32
    %sign3A_5 = arith.cmpi sgt, %add3A_4, %sign3A : i32
    %sign3A_6 = arith.extui %sign3A_5 : i1 to i32
    %sign3A_7 = arith.constant 0 : i32
    %sign3A_8 = arith.cmpi slt, %add3A_4, %sign3A_7 : i32
    %sign3A_9 = arith.extui %sign3A_8 : i1 to i32
    %sign3A_10 = arith.subi %sign3A_6, %sign3A_9 : i32
    %sign3A_11 = arith.constant 0 : i32
    %sign3A_12 = arith.cmpi sgt, %jit3A, %sign3A_11 : i32
    %sign3A_13 = arith.extui %sign3A_12 : i1 to i32
    %sign3A_14 = arith.constant 0 : i32
    %sign3A_15 = arith.cmpi slt, %jit3A, %sign3A_14 : i32
    %sign3A_16 = arith.extui %sign3A_15 : i1 to i32
    %sign3A_17 = arith.subi %sign3A_13, %sign3A_16 : i32
    %ne3A = arith.cmpi ne, %sign3A_10, %sign3A_17 : i32
    %rem3A = arith.remsi %add3A_4, %jit3A : i32
    %ne3A_18 = arith.constant 0 : i32
    %ne3A_19 = arith.cmpi ne, %rem3A, %ne3A_18 : i32
    %and3A = arith.andi %ne3A, %ne3A_19 : i1
    %sub3A = arith.constant 1 : i32
    %sub3A_20 = arith.subi %div3A, %sub3A : i32
    %select_n3A = arith.select %and3A, %sub3A_20, %div3A : i32
    %jit3A_21 = arith.constant 4 : i32
    %eq3A = arith.constant 0 : i32
    %eq3A_22 = arith.cmpi eq, %jit3A_21, %eq3A : i32
    %jit3A_23 = arith.constant 1 : i32
    %select_n3A_24 = arith.select %eq3A_22, %jit3A_23, %jit3A_21 : i32
    %rem3A_25 = arith.remsi %add3A_4, %select_n3A_24 : i32
    %ne3A_26 = arith.constant 0 : i32
    %ne3A_27 = arith.cmpi ne, %rem3A_25, %ne3A_26 : i32
    %lt3A = arith.constant 0 : i32
    %lt3A_28 = arith.cmpi slt, %rem3A_25, %lt3A : i32
    %lt3A_29 = arith.constant 0 : i32
    %lt3A_30 = arith.cmpi slt, %select_n3A_24, %lt3A_29 : i32
    %ne3A_31 = arith.xori %lt3A_28, %lt3A_30 : i1
    %and3A_32 = arith.andi %ne3A_31, %ne3A_27 : i1
    %add3A_33 = arith.addi %rem3A_25, %select_n3A_24 : i32
    %select_n3A_34 = arith.select %and3A_32, %add3A_33, %rem3A_25 : i32
    %mul3A_35 = arith.constant 32 : i32
    %mul3A_36 = arith.muli %select_n3A, %mul3A_35 : i32
    %mul3A_37 = arith.constant 8 : i32
    %mul3A_38 = arith.muli %mul3A_37, %select_n3A_34 : i32
    %add3A_39 = arith.addi %mul3A_36, %mul3A_38 : i32
    %dma_start3A = arith.constant 0 : i32
    %dma_start3A_40 = arith.constant 0 : i32
    %dma_start3A_41 = tpu.memref_slice %arg2[%add3A_39, %dma_start3A, %dma_start3A_40] : memref<768x224x224xf32, #tpu.memory_space<hbm>> -> memref<1x224x224xf32, #tpu.memory_space<hbm>>
    %dma_start3A_42 = tpu.memref_squeeze %dma_start3A_41 : memref<1x224x224xf32, #tpu.memory_space<hbm>> -> memref<224x224xf32, #tpu.memory_space<hbm>>
    %dma_start3A_43 = arith.constant 0 : i32
    %dma_start3A_44 = arith.constant 0 : i32
    %dma_start3A_45 = tpu.memref_slice %arg2[%add3A_39, %dma_start3A_43, %dma_start3A_44] : memref<768x224x224xf32, #tpu.memory_space<hbm>> -> memref<1x224x224xf32, #tpu.memory_space<hbm>>
    %dma_start3A_46 = tpu.memref_squeeze %dma_start3A_45 : memref<1x224x224xf32, #tpu.memory_space<hbm>> -> memref<224x224xf32, #tpu.memory_space<hbm>>
    tpu.enqueue_dma source(%dma_start3A_46 : memref<224x224xf32, #tpu.memory_space<hbm>>) target(%arg4 : memref<224x224xf32, #tpu.memory_space<vmem>>) target_semaphore(%arg6 : memref<!tpu.dma_semaphore, #tpu.memory_space<semaphore_mem>>)
    %mul3A_47 = arith.constant 3 : i32
    %mul3A_48 = arith.muli %add3A, %mul3A_47 : i32
    %add3A_49 = arith.constant 1 : i32
    %add3A_50 = arith.addi %mul3A_48, %add3A_49 : i32
    %jit3A_51 = arith.constant 4 : i32
    %div3A_52 = arith.divsi %add3A_50, %jit3A_51 : i32
    %sign3A_53 = arith.constant 0 : i32
    %sign3A_54 = arith.cmpi sgt, %add3A_50, %sign3A_53 : i32
    %sign3A_55 = arith.extui %sign3A_54 : i1 to i32
    %sign3A_56 = arith.constant 0 : i32
    %sign3A_57 = arith.cmpi slt, %add3A_50, %sign3A_56 : i32
    %sign3A_58 = arith.extui %sign3A_57 : i1 to i32
    %sign3A_59 = arith.subi %sign3A_55, %sign3A_58 : i32
    %sign3A_60 = arith.constant 0 : i32
    %sign3A_61 = arith.cmpi sgt, %jit3A_51, %sign3A_60 : i32
    %sign3A_62 = arith.extui %sign3A_61 : i1 to i32
    %sign3A_63 = arith.constant 0 : i32
    %sign3A_64 = arith.cmpi slt, %jit3A_51, %sign3A_63 : i32
    %sign3A_65 = arith.extui %sign3A_64 : i1 to i32
    %sign3A_66 = arith.subi %sign3A_62, %sign3A_65 : i32
    %ne3A_67 = arith.cmpi ne, %sign3A_59, %sign3A_66 : i32
    %rem3A_68 = arith.remsi %add3A_50, %jit3A_51 : i32
    %ne3A_69 = arith.constant 0 : i32
    %ne3A_70 = arith.cmpi ne, %rem3A_68, %ne3A_69 : i32
    %and3A_71 = arith.andi %ne3A_67, %ne3A_70 : i1
    %sub3A_72 = arith.constant 1 : i32
    %sub3A_73 = arith.subi %div3A_52, %sub3A_72 : i32
    %select_n3A_74 = arith.select %and3A_71, %sub3A_73, %div3A_52 : i32
    %jit3A_75 = arith.constant 4 : i32
    %eq3A_76 = arith.constant 0 : i32
    %eq3A_77 = arith.cmpi eq, %jit3A_75, %eq3A_76 : i32
    %jit3A_78 = arith.constant 1 : i32
    %select_n3A_79 = arith.select %eq3A_77, %jit3A_78, %jit3A_75 : i32
    %rem3A_80 = arith.remsi %add3A_50, %select_n3A_79 : i32
    %ne3A_81 = arith.constant 0 : i32
    %ne3A_82 = arith.cmpi ne, %rem3A_80, %ne3A_81 : i32
    %lt3A_83 = arith.constant 0 : i32
    %lt3A_84 = arith.cmpi slt, %rem3A_80, %lt3A_83 : i32
    %lt3A_85 = arith.constant 0 : i32
    %lt3A_86 = arith.cmpi slt, %select_n3A_79, %lt3A_85 : i32
    %ne3A_87 = arith.xori %lt3A_84, %lt3A_86 : i1
    %and3A_88 = arith.andi %ne3A_87, %ne3A_82 : i1
    %add3A_89 = arith.addi %rem3A_80, %select_n3A_79 : i32
    %select_n3A_90 = arith.select %and3A_88, %add3A_89, %rem3A_80 : i32
    %mul3A_91 = arith.constant 32 : i32
    %mul3A_92 = arith.muli %select_n3A_74, %mul3A_91 : i32
    %mul3A_93 = arith.constant 8 : i32
    %mul3A_94 = arith.muli %mul3A_93, %select_n3A_90 : i32
    %add3A_95 = arith.addi %mul3A_92, %mul3A_94 : i32
    %dma_start3A_96 = arith.constant 0 : i32
    %dma_start3A_97 = arith.constant 0 : i32
    %dma_start3A_98 = tpu.memref_slice %arg2[%add3A_95, %dma_start3A_96, %dma_start3A_97] : memref<768x224x224xf32, #tpu.memory_space<hbm>> -> memref<1x224x224xf32, #tpu.memory_space<hbm>>
    %dma_start3A_99 = tpu.memref_squeeze %dma_start3A_98 : memref<1x224x224xf32, #tpu.memory_space<hbm>> -> memref<224x224xf32, #tpu.memory_space<hbm>>
    %dma_start3A_100 = arith.constant 0 : i32
    %dma_start3A_101 = arith.constant 0 : i32
    %dma_start3A_102 = tpu.memref_slice %arg2[%add3A_95, %dma_start3A_100, %dma_start3A_101] : memref<768x224x224xf32, #tpu.memory_space<hbm>> -> memref<1x224x224xf32, #tpu.memory_space<hbm>>
    %dma_start3A_103 = tpu.memref_squeeze %dma_start3A_102 : memref<1x224x224xf32, #tpu.memory_space<hbm>> -> memref<224x224xf32, #tpu.memory_space<hbm>>
    tpu.enqueue_dma source(%dma_start3A_103 : memref<224x224xf32, #tpu.memory_space<hbm>>) target(%arg5 : memref<224x224xf32, #tpu.memory_space<vmem>>) target_semaphore(%arg7 : memref<!tpu.dma_semaphore, #tpu.memory_space<semaphore_mem>>)
    %dma_wait3A = arith.constant 0 : i32
    %dma_wait3A_104 = arith.constant 0 : i32
    %dma_wait3A_105 = tpu.memref_slice %arg2[%add3A_39, %dma_wait3A, %dma_wait3A_104] : memref<768x224x224xf32, #tpu.memory_space<hbm>> -> memref<1x224x224xf32, #tpu.memory_space<hbm>>
    %dma_wait3A_106 = tpu.memref_squeeze %dma_wait3A_105 : memref<1x224x224xf32, #tpu.memory_space<hbm>> -> memref<224x224xf32, #tpu.memory_space<hbm>>
    %dma_wait3A_107 = arith.constant 0 : i32
    %dma_wait3A_108 = arith.constant 0 : i32
    %dma_wait3A_109 = tpu.memref_slice %arg2[%add3A_39, %dma_wait3A_107, %dma_wait3A_108] : memref<768x224x224xf32, #tpu.memory_space<hbm>> -> memref<1x224x224xf32, #tpu.memory_space<hbm>>
    %dma_wait3A_110 = tpu.memref_squeeze %dma_wait3A_109 : memref<1x224x224xf32, #tpu.memory_space<hbm>> -> memref<224x224xf32, #tpu.memory_space<hbm>>
    tpu.wait_dma2 semaphore(%arg6 : memref<!tpu.dma_semaphore, #tpu.memory_space<semaphore_mem>>) src(%dma_wait3A_110 : memref<224x224xf32, #tpu.memory_space<hbm>>) dst(%arg4 : memref<224x224xf32, #tpu.memory_space<vmem>>)
    %mul3A_111 = arith.constant 3 : i32
    %mul3A_112 = arith.muli %add3A, %mul3A_111 : i32
    %add3A_113 = arith.constant 0 : i32
    %add3A_114 = arith.addi %mul3A_112, %add3A_113 : i32
    %jit3A_115 = arith.constant 4 : i32
    %div3A_116 = arith.divsi %add3A_114, %jit3A_115 : i32
    %sign3A_117 = arith.constant 0 : i32
    %sign3A_118 = arith.cmpi sgt, %add3A_114, %sign3A_117 : i32
    %sign3A_119 = arith.extui %sign3A_118 : i1 to i32
    %sign3A_120 = arith.constant 0 : i32
    %sign3A_121 = arith.cmpi slt, %add3A_114, %sign3A_120 : i32
    %sign3A_122 = arith.extui %sign3A_121 : i1 to i32
    %sign3A_123 = arith.subi %sign3A_119, %sign3A_122 : i32
    %sign3A_124 = arith.constant 0 : i32
    %sign3A_125 = arith.cmpi sgt, %jit3A_115, %sign3A_124 : i32
    %sign3A_126 = arith.extui %sign3A_125 : i1 to i32
    %sign3A_127 = arith.constant 0 : i32
    %sign3A_128 = arith.cmpi slt, %jit3A_115, %sign3A_127 : i32
    %sign3A_129 = arith.extui %sign3A_128 : i1 to i32
    %sign3A_130 = arith.subi %sign3A_126, %sign3A_129 : i32
    %ne3A_131 = arith.cmpi ne, %sign3A_123, %sign3A_130 : i32
    %rem3A_132 = arith.remsi %add3A_114, %jit3A_115 : i32
    %ne3A_133 = arith.constant 0 : i32
    %ne3A_134 = arith.cmpi ne, %rem3A_132, %ne3A_133 : i32
    %and3A_135 = arith.andi %ne3A_131, %ne3A_134 : i1
    %sub3A_136 = arith.constant 1 : i32
    %sub3A_137 = arith.subi %div3A_116, %sub3A_136 : i32
    %select_n3A_138 = arith.select %and3A_135, %sub3A_137, %div3A_116 : i32
    %jit3A_139 = arith.constant 4 : i32
    %eq3A_140 = arith.constant 0 : i32
    %eq3A_141 = arith.cmpi eq, %jit3A_139, %eq3A_140 : i32
    %jit3A_142 = arith.constant 1 : i32
    %select_n3A_143 = arith.select %eq3A_141, %jit3A_142, %jit3A_139 : i32
    %rem3A_144 = arith.remsi %add3A_114, %select_n3A_143 : i32
    %ne3A_145 = arith.constant 0 : i32
    %ne3A_146 = arith.cmpi ne, %rem3A_144, %ne3A_145 : i32
    %lt3A_147 = arith.constant 0 : i32
    %lt3A_148 = arith.cmpi slt, %rem3A_144, %lt3A_147 : i32
    %lt3A_149 = arith.constant 0 : i32
    %lt3A_150 = arith.cmpi slt, %select_n3A_143, %lt3A_149 : i32
    %ne3A_151 = arith.xori %lt3A_148, %lt3A_150 : i1
    %and3A_152 = arith.andi %ne3A_151, %ne3A_146 : i1
    %add3A_153 = arith.addi %rem3A_144, %select_n3A_143 : i32
    %select_n3A_154 = arith.select %and3A_152, %add3A_153, %rem3A_144 : i32
    %mul3A_155 = arith.constant 32 : i32
    %mul3A_156 = arith.muli %select_n3A_138, %mul3A_155 : i32
    %mul3A_157 = arith.constant 8 : i32
    %mul3A_158 = arith.muli %mul3A_157, %select_n3A_154 : i32
    %add3A_159 = arith.addi %mul3A_156, %mul3A_158 : i32
    %dma_start3A_160 = arith.constant 0 : i32
    %dma_start3A_161 = arith.constant 0 : i32
    %dma_start3A_162 = tpu.memref_slice %arg3[%add3A_114, %dma_start3A_160, %dma_start3A_161] : memref<96x224x224xf32, #tpu.memory_space<hbm>> -> memref<1x224x224xf32, #tpu.memory_space<hbm>>
    %dma_start3A_163 = tpu.memref_squeeze %dma_start3A_162 : memref<1x224x224xf32, #tpu.memory_space<hbm>> -> memref<224x224xf32, #tpu.memory_space<hbm>>
    %dma_start3A_164 = arith.constant 0 : i32
    %dma_start3A_165 = arith.constant 0 : i32
    %dma_start3A_166 = tpu.memref_slice %arg3[%add3A_114, %dma_start3A_164, %dma_start3A_165] : memref<96x224x224xf32, #tpu.memory_space<hbm>> -> memref<1x224x224xf32, #tpu.memory_space<hbm>>
    %dma_start3A_167 = tpu.memref_squeeze %dma_start3A_166 : memref<1x224x224xf32, #tpu.memory_space<hbm>> -> memref<224x224xf32, #tpu.memory_space<hbm>>
    tpu.enqueue_dma source(%arg4 : memref<224x224xf32, #tpu.memory_space<vmem>>) target(%dma_start3A_167 : memref<224x224xf32, #tpu.memory_space<hbm>>) target_semaphore(%arg8 : memref<!tpu.dma_semaphore, #tpu.memory_space<semaphore_mem>>)
    %mul3A_168 = arith.constant 3 : i32
    %mul3A_169 = arith.muli %add3A, %mul3A_168 : i32
    %add3A_170 = arith.constant 2 : i32
    %add3A_171 = arith.addi %mul3A_169, %add3A_170 : i32
    %jit3A_172 = arith.constant 4 : i32
    %div3A_173 = arith.divsi %add3A_171, %jit3A_172 : i32
    %sign3A_174 = arith.constant 0 : i32
    %sign3A_175 = arith.cmpi sgt, %add3A_171, %sign3A_174 : i32
    %sign3A_176 = arith.extui %sign3A_175 : i1 to i32
    %sign3A_177 = arith.constant 0 : i32
    %sign3A_178 = arith.cmpi slt, %add3A_171, %sign3A_177 : i32
    %sign3A_179 = arith.extui %sign3A_178 : i1 to i32
    %sign3A_180 = arith.subi %sign3A_176, %sign3A_179 : i32
    %sign3A_181 = arith.constant 0 : i32
    %sign3A_182 = arith.cmpi sgt, %jit3A_172, %sign3A_181 : i32
    %sign3A_183 = arith.extui %sign3A_182 : i1 to i32
    %sign3A_184 = arith.constant 0 : i32
    %sign3A_185 = arith.cmpi slt, %jit3A_172, %sign3A_184 : i32
    %sign3A_186 = arith.extui %sign3A_185 : i1 to i32
    %sign3A_187 = arith.subi %sign3A_183, %sign3A_186 : i32
    %ne3A_188 = arith.cmpi ne, %sign3A_180, %sign3A_187 : i32
    %rem3A_189 = arith.remsi %add3A_171, %jit3A_172 : i32
    %ne3A_190 = arith.constant 0 : i32
    %ne3A_191 = arith.cmpi ne, %rem3A_189, %ne3A_190 : i32
    %and3A_192 = arith.andi %ne3A_188, %ne3A_191 : i1
    %sub3A_193 = arith.constant 1 : i32
    %sub3A_194 = arith.subi %div3A_173, %sub3A_193 : i32
    %select_n3A_195 = arith.select %and3A_192, %sub3A_194, %div3A_173 : i32
    %jit3A_196 = arith.constant 4 : i32
    %eq3A_197 = arith.constant 0 : i32
    %eq3A_198 = arith.cmpi eq, %jit3A_196, %eq3A_197 : i32
    %jit3A_199 = arith.constant 1 : i32
    %select_n3A_200 = arith.select %eq3A_198, %jit3A_199, %jit3A_196 : i32
    %rem3A_201 = arith.remsi %add3A_171, %select_n3A_200 : i32
    %ne3A_202 = arith.constant 0 : i32
    %ne3A_203 = arith.cmpi ne, %rem3A_201, %ne3A_202 : i32
    %lt3A_204 = arith.constant 0 : i32
    %lt3A_205 = arith.cmpi slt, %rem3A_201, %lt3A_204 : i32
    %lt3A_206 = arith.constant 0 : i32
    %lt3A_207 = arith.cmpi slt, %select_n3A_200, %lt3A_206 : i32
    %ne3A_208 = arith.xori %lt3A_205, %lt3A_207 : i1
    %and3A_209 = arith.andi %ne3A_208, %ne3A_203 : i1
    %add3A_210 = arith.addi %rem3A_201, %select_n3A_200 : i32
    %select_n3A_211 = arith.select %and3A_209, %add3A_210, %rem3A_201 : i32
    %mul3A_212 = arith.constant 32 : i32
    %mul3A_213 = arith.muli %select_n3A_195, %mul3A_212 : i32
    %mul3A_214 = arith.constant 8 : i32
    %mul3A_215 = arith.muli %mul3A_214, %select_n3A_211 : i32
    %add3A_216 = arith.addi %mul3A_213, %mul3A_215 : i32
    %dma_wait3A_217 = arith.constant 0 : i32
    %dma_wait3A_218 = arith.constant 0 : i32
    %dma_wait3A_219 = tpu.memref_slice %arg3[%add3A_114, %dma_wait3A_217, %dma_wait3A_218] : memref<96x224x224xf32, #tpu.memory_space<hbm>> -> memref<1x224x224xf32, #tpu.memory_space<hbm>>
    %dma_wait3A_220 = tpu.memref_squeeze %dma_wait3A_219 : memref<1x224x224xf32, #tpu.memory_space<hbm>> -> memref<224x224xf32, #tpu.memory_space<hbm>>
    %dma_wait3A_221 = arith.constant 0 : i32
    %dma_wait3A_222 = arith.constant 0 : i32
    %dma_wait3A_223 = tpu.memref_slice %arg3[%add3A_114, %dma_wait3A_221, %dma_wait3A_222] : memref<96x224x224xf32, #tpu.memory_space<hbm>> -> memref<1x224x224xf32, #tpu.memory_space<hbm>>
    %dma_wait3A_224 = tpu.memref_squeeze %dma_wait3A_223 : memref<1x224x224xf32, #tpu.memory_space<hbm>> -> memref<224x224xf32, #tpu.memory_space<hbm>>
    tpu.wait_dma2 semaphore(%arg8 : memref<!tpu.dma_semaphore, #tpu.memory_space<semaphore_mem>>) src(%arg4 : memref<224x224xf32, #tpu.memory_space<vmem>>) dst(%dma_wait3A_224 : memref<224x224xf32, #tpu.memory_space<hbm>>)
    %dma_start3A_225 = arith.constant 0 : i32
    %dma_start3A_226 = arith.constant 0 : i32
    %dma_start3A_227 = tpu.memref_slice %arg2[%add3A_216, %dma_start3A_225, %dma_start3A_226] : memref<768x224x224xf32, #tpu.memory_space<hbm>> -> memref<1x224x224xf32, #tpu.memory_space<hbm>>
    %dma_start3A_228 = tpu.memref_squeeze %dma_start3A_227 : memref<1x224x224xf32, #tpu.memory_space<hbm>> -> memref<224x224xf32, #tpu.memory_space<hbm>>
    %dma_start3A_229 = arith.constant 0 : i32
    %dma_start3A_230 = arith.constant 0 : i32
    %dma_start3A_231 = tpu.memref_slice %arg2[%add3A_216, %dma_start3A_229, %dma_start3A_230] : memref<768x224x224xf32, #tpu.memory_space<hbm>> -> memref<1x224x224xf32, #tpu.memory_space<hbm>>
    %dma_start3A_232 = tpu.memref_squeeze %dma_start3A_231 : memref<1x224x224xf32, #tpu.memory_space<hbm>> -> memref<224x224xf32, #tpu.memory_space<hbm>>
    tpu.enqueue_dma source(%dma_start3A_232 : memref<224x224xf32, #tpu.memory_space<hbm>>) target(%arg4 : memref<224x224xf32, #tpu.memory_space<vmem>>) target_semaphore(%arg6 : memref<!tpu.dma_semaphore, #tpu.memory_space<semaphore_mem>>)
    %dma_wait3A_233 = arith.constant 0 : i32
    %dma_wait3A_234 = arith.constant 0 : i32
    %dma_wait3A_235 = tpu.memref_slice %arg2[%add3A_95, %dma_wait3A_233, %dma_wait3A_234] : memref<768x224x224xf32, #tpu.memory_space<hbm>> -> memref<1x224x224xf32, #tpu.memory_space<hbm>>
    %dma_wait3A_236 = tpu.memref_squeeze %dma_wait3A_235 : memref<1x224x224xf32, #tpu.memory_space<hbm>> -> memref<224x224xf32, #tpu.memory_space<hbm>>
    %dma_wait3A_237 = arith.constant 0 : i32
    %dma_wait3A_238 = arith.constant 0 : i32
    %dma_wait3A_239 = tpu.memref_slice %arg2[%add3A_95, %dma_wait3A_237, %dma_wait3A_238] : memref<768x224x224xf32, #tpu.memory_space<hbm>> -> memref<1x224x224xf32, #tpu.memory_space<hbm>>
    %dma_wait3A_240 = tpu.memref_squeeze %dma_wait3A_239 : memref<1x224x224xf32, #tpu.memory_space<hbm>> -> memref<224x224xf32, #tpu.memory_space<hbm>>
    tpu.wait_dma2 semaphore(%arg7 : memref<!tpu.dma_semaphore, #tpu.memory_space<semaphore_mem>>) src(%dma_wait3A_240 : memref<224x224xf32, #tpu.memory_space<hbm>>) dst(%arg5 : memref<224x224xf32, #tpu.memory_space<vmem>>)
    %mul3A_241 = arith.constant 3 : i32
    %mul3A_242 = arith.muli %add3A, %mul3A_241 : i32
    %add3A_243 = arith.constant 1 : i32
    %add3A_244 = arith.addi %mul3A_242, %add3A_243 : i32
    %jit3A_245 = arith.constant 4 : i32
    %div3A_246 = arith.divsi %add3A_244, %jit3A_245 : i32
    %sign3A_247 = arith.constant 0 : i32
    %sign3A_248 = arith.cmpi sgt, %add3A_244, %sign3A_247 : i32
    %sign3A_249 = arith.extui %sign3A_248 : i1 to i32
    %sign3A_250 = arith.constant 0 : i32
    %sign3A_251 = arith.cmpi slt, %add3A_244, %sign3A_250 : i32
    %sign3A_252 = arith.extui %sign3A_251 : i1 to i32
    %sign3A_253 = arith.subi %sign3A_249, %sign3A_252 : i32
    %sign3A_254 = arith.constant 0 : i32
    %sign3A_255 = arith.cmpi sgt, %jit3A_245, %sign3A_254 : i32
    %sign3A_256 = arith.extui %sign3A_255 : i1 to i32
    %sign3A_257 = arith.constant 0 : i32
    %sign3A_258 = arith.cmpi slt, %jit3A_245, %sign3A_257 : i32
    %sign3A_259 = arith.extui %sign3A_258 : i1 to i32
    %sign3A_260 = arith.subi %sign3A_256, %sign3A_259 : i32
    %ne3A_261 = arith.cmpi ne, %sign3A_253, %sign3A_260 : i32
    %rem3A_262 = arith.remsi %add3A_244, %jit3A_245 : i32
    %ne3A_263 = arith.constant 0 : i32
    %ne3A_264 = arith.cmpi ne, %rem3A_262, %ne3A_263 : i32
    %and3A_265 = arith.andi %ne3A_261, %ne3A_264 : i1
    %sub3A_266 = arith.constant 1 : i32
    %sub3A_267 = arith.subi %div3A_246, %sub3A_266 : i32
    %select_n3A_268 = arith.select %and3A_265, %sub3A_267, %div3A_246 : i32
    %jit3A_269 = arith.constant 4 : i32
    %eq3A_270 = arith.constant 0 : i32
    %eq3A_271 = arith.cmpi eq, %jit3A_269, %eq3A_270 : i32
    %jit3A_272 = arith.constant 1 : i32
    %select_n3A_273 = arith.select %eq3A_271, %jit3A_272, %jit3A_269 : i32
    %rem3A_274 = arith.remsi %add3A_244, %select_n3A_273 : i32
    %ne3A_275 = arith.constant 0 : i32
    %ne3A_276 = arith.cmpi ne, %rem3A_274, %ne3A_275 : i32
    %lt3A_277 = arith.constant 0 : i32
    %lt3A_278 = arith.cmpi slt, %rem3A_274, %lt3A_277 : i32
    %lt3A_279 = arith.constant 0 : i32
    %lt3A_280 = arith.cmpi slt, %select_n3A_273, %lt3A_279 : i32
    %ne3A_281 = arith.xori %lt3A_278, %lt3A_280 : i1
    %and3A_282 = arith.andi %ne3A_281, %ne3A_276 : i1
    %add3A_283 = arith.addi %rem3A_274, %select_n3A_273 : i32
    %select_n3A_284 = arith.select %and3A_282, %add3A_283, %rem3A_274 : i32
    %mul3A_285 = arith.constant 32 : i32
    %mul3A_286 = arith.muli %select_n3A_268, %mul3A_285 : i32
    %mul3A_287 = arith.constant 8 : i32
    %mul3A_288 = arith.muli %mul3A_287, %select_n3A_284 : i32
    %add3A_289 = arith.addi %mul3A_286, %mul3A_288 : i32
    %dma_start3A_290 = arith.constant 0 : i32
    %dma_start3A_291 = arith.constant 0 : i32
    %dma_start3A_292 = tpu.memref_slice %arg3[%add3A_244, %dma_start3A_290, %dma_start3A_291] : memref<96x224x224xf32, #tpu.memory_space<hbm>> -> memref<1x224x224xf32, #tpu.memory_space<hbm>>
    %dma_start3A_293 = tpu.memref_squeeze %dma_start3A_292 : memref<1x224x224xf32, #tpu.memory_space<hbm>> -> memref<224x224xf32, #tpu.memory_space<hbm>>
    %dma_start3A_294 = arith.constant 0 : i32
    %dma_start3A_295 = arith.constant 0 : i32
    %dma_start3A_296 = tpu.memref_slice %arg3[%add3A_244, %dma_start3A_294, %dma_start3A_295] : memref<96x224x224xf32, #tpu.memory_space<hbm>> -> memref<1x224x224xf32, #tpu.memory_space<hbm>>
    %dma_start3A_297 = tpu.memref_squeeze %dma_start3A_296 : memref<1x224x224xf32, #tpu.memory_space<hbm>> -> memref<224x224xf32, #tpu.memory_space<hbm>>
    tpu.enqueue_dma source(%arg5 : memref<224x224xf32, #tpu.memory_space<vmem>>) target(%dma_start3A_297 : memref<224x224xf32, #tpu.memory_space<hbm>>) target_semaphore(%arg9 : memref<!tpu.dma_semaphore, #tpu.memory_space<semaphore_mem>>)
    %dma_wait3A_298 = arith.constant 0 : i32
    %dma_wait3A_299 = arith.constant 0 : i32
    %dma_wait3A_300 = tpu.memref_slice %arg2[%add3A_216, %dma_wait3A_298, %dma_wait3A_299] : memref<768x224x224xf32, #tpu.memory_space<hbm>> -> memref<1x224x224xf32, #tpu.memory_space<hbm>>
    %dma_wait3A_301 = tpu.memref_squeeze %dma_wait3A_300 : memref<1x224x224xf32, #tpu.memory_space<hbm>> -> memref<224x224xf32, #tpu.memory_space<hbm>>
    %dma_wait3A_302 = arith.constant 0 : i32
    %dma_wait3A_303 = arith.constant 0 : i32
    %dma_wait3A_304 = tpu.memref_slice %arg2[%add3A_216, %dma_wait3A_302, %dma_wait3A_303] : memref<768x224x224xf32, #tpu.memory_space<hbm>> -> memref<1x224x224xf32, #tpu.memory_space<hbm>>
    %dma_wait3A_305 = tpu.memref_squeeze %dma_wait3A_304 : memref<1x224x224xf32, #tpu.memory_space<hbm>> -> memref<224x224xf32, #tpu.memory_space<hbm>>
    tpu.wait_dma2 semaphore(%arg6 : memref<!tpu.dma_semaphore, #tpu.memory_space<semaphore_mem>>) src(%dma_wait3A_305 : memref<224x224xf32, #tpu.memory_space<hbm>>) dst(%arg4 : memref<224x224xf32, #tpu.memory_space<vmem>>)
    %mul3A_306 = arith.constant 3 : i32
    %mul3A_307 = arith.muli %add3A, %mul3A_306 : i32
    %add3A_308 = arith.constant 2 : i32
    %add3A_309 = arith.addi %mul3A_307, %add3A_308 : i32
    %jit3A_310 = arith.constant 4 : i32
    %div3A_311 = arith.divsi %add3A_309, %jit3A_310 : i32
    %sign3A_312 = arith.constant 0 : i32
    %sign3A_313 = arith.cmpi sgt, %add3A_309, %sign3A_312 : i32
    %sign3A_314 = arith.extui %sign3A_313 : i1 to i32
    %sign3A_315 = arith.constant 0 : i32
    %sign3A_316 = arith.cmpi slt, %add3A_309, %sign3A_315 : i32
    %sign3A_317 = arith.extui %sign3A_316 : i1 to i32
    %sign3A_318 = arith.subi %sign3A_314, %sign3A_317 : i32
    %sign3A_319 = arith.constant 0 : i32
    %sign3A_320 = arith.cmpi sgt, %jit3A_310, %sign3A_319 : i32
    %sign3A_321 = arith.extui %sign3A_320 : i1 to i32
    %sign3A_322 = arith.constant 0 : i32
    %sign3A_323 = arith.cmpi slt, %jit3A_310, %sign3A_322 : i32
    %sign3A_324 = arith.extui %sign3A_323 : i1 to i32
    %sign3A_325 = arith.subi %sign3A_321, %sign3A_324 : i32
    %ne3A_326 = arith.cmpi ne, %sign3A_318, %sign3A_325 : i32
    %rem3A_327 = arith.remsi %add3A_309, %jit3A_310 : i32
    %ne3A_328 = arith.constant 0 : i32
    %ne3A_329 = arith.cmpi ne, %rem3A_327, %ne3A_328 : i32
    %and3A_330 = arith.andi %ne3A_326, %ne3A_329 : i1
    %sub3A_331 = arith.constant 1 : i32
    %sub3A_332 = arith.subi %div3A_311, %sub3A_331 : i32
    %select_n3A_333 = arith.select %and3A_330, %sub3A_332, %div3A_311 : i32
    %jit3A_334 = arith.constant 4 : i32
    %eq3A_335 = arith.constant 0 : i32
    %eq3A_336 = arith.cmpi eq, %jit3A_334, %eq3A_335 : i32
    %jit3A_337 = arith.constant 1 : i32
    %select_n3A_338 = arith.select %eq3A_336, %jit3A_337, %jit3A_334 : i32
    %rem3A_339 = arith.remsi %add3A_309, %select_n3A_338 : i32
    %ne3A_340 = arith.constant 0 : i32
    %ne3A_341 = arith.cmpi ne, %rem3A_339, %ne3A_340 : i32
    %lt3A_342 = arith.constant 0 : i32
    %lt3A_343 = arith.cmpi slt, %rem3A_339, %lt3A_342 : i32
    %lt3A_344 = arith.constant 0 : i32
    %lt3A_345 = arith.cmpi slt, %select_n3A_338, %lt3A_344 : i32
    %ne3A_346 = arith.xori %lt3A_343, %lt3A_345 : i1
    %and3A_347 = arith.andi %ne3A_346, %ne3A_341 : i1
    %add3A_348 = arith.addi %rem3A_339, %select_n3A_338 : i32
    %select_n3A_349 = arith.select %and3A_347, %add3A_348, %rem3A_339 : i32
    %mul3A_350 = arith.constant 32 : i32
    %mul3A_351 = arith.muli %select_n3A_333, %mul3A_350 : i32
    %mul3A_352 = arith.constant 8 : i32
    %mul3A_353 = arith.muli %mul3A_352, %select_n3A_349 : i32
    %add3A_354 = arith.addi %mul3A_351, %mul3A_353 : i32
    %dma_start3A_355 = arith.constant 0 : i32
    %dma_start3A_356 = arith.constant 0 : i32
    %dma_start3A_357 = tpu.memref_slice %arg3[%add3A_309, %dma_start3A_355, %dma_start3A_356] : memref<96x224x224xf32, #tpu.memory_space<hbm>> -> memref<1x224x224xf32, #tpu.memory_space<hbm>>
    %dma_start3A_358 = tpu.memref_squeeze %dma_start3A_357 : memref<1x224x224xf32, #tpu.memory_space<hbm>> -> memref<224x224xf32, #tpu.memory_space<hbm>>
    %dma_start3A_359 = arith.constant 0 : i32
    %dma_start3A_360 = arith.constant 0 : i32
    %dma_start3A_361 = tpu.memref_slice %arg3[%add3A_309, %dma_start3A_359, %dma_start3A_360] : memref<96x224x224xf32, #tpu.memory_space<hbm>> -> memref<1x224x224xf32, #tpu.memory_space<hbm>>
    %dma_start3A_362 = tpu.memref_squeeze %dma_start3A_361 : memref<1x224x224xf32, #tpu.memory_space<hbm>> -> memref<224x224xf32, #tpu.memory_space<hbm>>
    tpu.enqueue_dma source(%arg4 : memref<224x224xf32, #tpu.memory_space<vmem>>) target(%dma_start3A_362 : memref<224x224xf32, #tpu.memory_space<hbm>>) target_semaphore(%arg8 : memref<!tpu.dma_semaphore, #tpu.memory_space<semaphore_mem>>)
    %dma_wait3A_363 = arith.constant 0 : i32
    %dma_wait3A_364 = arith.constant 0 : i32
    %dma_wait3A_365 = tpu.memref_slice %arg3[%add3A_309, %dma_wait3A_363, %dma_wait3A_364] : memref<96x224x224xf32, #tpu.memory_space<hbm>> -> memref<1x224x224xf32, #tpu.memory_space<hbm>>
    %dma_wait3A_366 = tpu.memref_squeeze %dma_wait3A_365 : memref<1x224x224xf32, #tpu.memory_space<hbm>> -> memref<224x224xf32, #tpu.memory_space<hbm>>
    %dma_wait3A_367 = arith.constant 0 : i32
    %dma_wait3A_368 = arith.constant 0 : i32
    %dma_wait3A_369 = tpu.memref_slice %arg3[%add3A_309, %dma_wait3A_367, %dma_wait3A_368] : memref<96x224x224xf32, #tpu.memory_space<hbm>> -> memref<1x224x224xf32, #tpu.memory_space<hbm>>
    %dma_wait3A_370 = tpu.memref_squeeze %dma_wait3A_369 : memref<1x224x224xf32, #tpu.memory_space<hbm>> -> memref<224x224xf32, #tpu.memory_space<hbm>>
    tpu.wait_dma2 semaphore(%arg8 : memref<!tpu.dma_semaphore, #tpu.memory_space<semaphore_mem>>) src(%arg4 : memref<224x224xf32, #tpu.memory_space<vmem>>) dst(%dma_wait3A_370 : memref<224x224xf32, #tpu.memory_space<hbm>>)
    %dma_wait3A_371 = arith.constant 0 : i32
    %dma_wait3A_372 = arith.constant 0 : i32
    %dma_wait3A_373 = tpu.memref_slice %arg3[%add3A_244, %dma_wait3A_371, %dma_wait3A_372] : memref<96x224x224xf32, #tpu.memory_space<hbm>> -> memref<1x224x224xf32, #tpu.memory_space<hbm>>
    %dma_wait3A_374 = tpu.memref_squeeze %dma_wait3A_373 : memref<1x224x224xf32, #tpu.memory_space<hbm>> -> memref<224x224xf32, #tpu.memory_space<hbm>>
    %dma_wait3A_375 = arith.constant 0 : i32
    %dma_wait3A_376 = arith.constant 0 : i32
    %dma_wait3A_377 = tpu.memref_slice %arg3[%add3A_244, %dma_wait3A_375, %dma_wait3A_376] : memref<96x224x224xf32, #tpu.memory_space<hbm>> -> memref<1x224x224xf32, #tpu.memory_space<hbm>>
    %dma_wait3A_378 = tpu.memref_squeeze %dma_wait3A_377 : memref<1x224x224xf32, #tpu.memory_space<hbm>> -> memref<224x224xf32, #tpu.memory_space<hbm>>
    tpu.wait_dma2 semaphore(%arg9 : memref<!tpu.dma_semaphore, #tpu.memory_space<semaphore_mem>>) src(%arg5 : memref<224x224xf32, #tpu.memory_space<vmem>>) dst(%dma_wait3A_378 : memref<224x224xf32, #tpu.memory_space<hbm>>)
    return
  }
}

</mosaic_0001>

<sc_bundles>
// kernel: kernel.3.cloned.1.call-start
scs
__scs_entry_jumppad:
0x0: {  	(pc) =	sbr.rel $0x88, $3  }
0x1: {  	(tag) =	ssettag $0x0;
	lr =	simm.s32 $0x1  }
0x2: {  	[smem:$0x3FA0] =	sst lr;
	_ =	strace $0xD0000000  }
0x3: {  	_ = 	snop  }
0x4: {  	_ = 	snop  }
0x5: {  	_ = 	snop  }
0x6: {  	_ = 	snop  }
0x7: {  	_ = 	snop  }
__scs_overlays_trampoline_lowered:
0x8: {  	[smem:$0x3FAF] =	sst s0  }
0x9: {  	[smem:$0x3FB0] =	sst s1  }
0xa: {  	[smem:$0x3FB1] =	sst s2  }
0xb: {  	[smem:$0x3FB2] =	sst s3  }
0xc: {  	[smem:$0x3FB3] =	sst s4  }
0xd: {  	[smem:$0x3FB4] =	sst s5  }
0xe: {  	[smem:$0x3FB5] =	sst s6  }
0xf: {  	[smem:$0x3FB6] =	sst s7  }
0x10: {  	[smem:$0x3FB7] =	sst s8  }
0x11: {  	[smem:$0x3FB8] =	sst s9;
	s0 =	simm.s32 @!p0 $0x0  }
0x12: {  	s1 =	sld [smem:$0x3F9E];
	s0 =	simm.s32 @p0 $0x1  }
0x13: {  	[smem:$0x3FB9] =	sst s0;
	s0 =	simm.s32 @!p1 $0x0  }
0x14: {  	s2 =	sld [smem:$0x3F9D];
	s0 =	simm.s32 @p1 $0x1  }
0x15: {  	[smem:$0x3FBA] =	sst s0;
	s0 =	simm.s32 @!p2 $0x0  }
0x16: {  	s3 =	sld [smem:$0x3FDB];
	s0 =	simm.s32 @p2 $0x1  }
0x17: {  	s4 =	simm.s32 $0x1BF5;
	[smem:$0x3FBC] =	sst s0  }
0x18: {  	s0 =	sld [smem:$0x3F9F];
	_ =	swait.ge [sflag:s4], $0x0  }
0x19: {  	s7 =	sld [smem:$0x3FA0]  }
0x1a: {  	s8 =	sadd.s32 $0xFFFFE003, lr  }
0x1b: {  	s9 =	sadd.s32 $0xFFFFFEF7, lr;
	s5 =	simm.s32 $0xFFFFFFFF;
	p2 =	slt.u32 s8, $0xFFFFF086  }
0x1c: {  	p1 =	slt.u32 s9, $0xF7A;
	s5 =	simm.s32 @!p2 $0x0  }
0x1d: {  	s5 =	simm.s32 @p1 $0x1;
	p0 =	seq.s32 s7, s2  }
0x1e: {  	s7 =	smul.u32 @!p0 $0xF7A, s2;
	p2 =	seq.s32 @!p0 s5, $0x0  }
0x1f: {  	s9 =	smul.u32 $0xF7A, s1;
	s8 =	simm.s32 @!p0 $0x1BF5;
	p2 =	por !p2, p0  }
0x20: {  	[sflag:s8] =	ssyncset.s32 @!p0 $0xFFFFF086;
	s6 =	sadd.s32 @!p0 s3, s7;
	s7 =	simm.s32 @!p0 $0x108  }
0x21: {  	s3 =	sadd.s32 s3, s9;
	s6 =	sadd.s32 @!p0 $0x88, s6;
	s7 =	simm.s32 @p2 $0x1082  }
0x22: {  	[simem:s7], [sflag:s8] =	dma.local @!p0 [hbm:s6], $0xF7A  }
0x23: {  	s9 =	sor.u32 $0xD0000000, s2;
	s6 =	simm.s32 $0x108;
	_ =	swait.ge @!p0 [sflag:s8], $0x0  }
0x24: {  	s3 =	sadd.s32 $0x88, s3;
	s6 =	simm.s32 @!p1 $0x1082;
	[sflag:s4] =	ssyncset.s32 $0xFFFFF086  }
0x25: {  	[simem:s6], [sflag:s4] =	dma.local [hbm:s3], $0xF7A  }
0x26: {  	[smem:$0x3FA0] =	sst s1;
	(tag) =	ssettag s2;
	_ =	strace s9  }
0x27: {  	s1 =	sld [smem:$0x3FB0]  }
0x28: {  	s2 =	sld [smem:$0x3FB1]  }
0x29: {  	s4 =	sld [smem:$0x3FB3]  }
0x2a: {  	p0 =	seq.s32 s5, $0x0;
	s5 =	sld [smem:$0x3FB4]  }
0x2b: {  	s6 =	sld [smem:$0x3FB5]  }
0x2c: {  	s7 =	sld [smem:$0x3FB6]  }
0x2d: {  	s3 =	simm.s32 $0x108;
	s8 =	sld [smem:$0x3FB7]  }
0x2e: {  	s3 =	simm.s32 @!p0 $0x1082;
	s9 =	sld [smem:$0x3FB8]  }
0x2f: {  	lr =	sadd.s32 s0, s3;
	s0 =	sld [smem:$0x3FAF]  }
0x30: {  	s3 =	sld [smem:$0x3FB2]  }
0x31: {  	[smem:$0x3FBB] =	sst s10  }
0x32: {  	s10 =	sld [smem:$0x3FB9];
	_ =	sdelay $0x3  }
0x33: {  	p0 =	seq.s32 s10, $0x1;
	s10 =	sld [smem:$0x3FBB];
	_ =	sdelay $0x3  }
0x34: {  	[smem:$0x3FBB] =	sst s10  }
0x35: {  	s10 =	sld [smem:$0x3FBA];
	_ =	sdelay $0x3  }
0x36: {  	p1 =	seq.s32 s10, $0x1;
	s10 =	sld [smem:$0x3FBB];
	_ =	sdelay $0x3  }
0x37: {  	[smem:$0x3FBB] =	sst s10  }
0x38: {  	s10 =	sld [smem:$0x3FBC]  }
0x39: {  	_ = 	snop;
	(pc) =	sbr.ind lr, $3  }
0x3a: {  	_ = 	snop  }
0x3b: {  	_ = 	snop  }
0x3c: {  	p2 =	seq.s32 s10, $0x1;
	s10 =	sld [smem:$0x3FBB]  }
0x3d: {  	_ =	shalt  }
0x3e: {  	_ =	shalt  }
0x3f: {  	_ =	shalt  }
0x40: {  	_ =	shalt  }
0x41: {  	_ =	shalt  }
0x42: {  	_ =	shalt  }
0x43: {  	_ =	shalt  }
0x44: {  	_ =	shalt  }
0x45: {  	_ =	shalt  }
0x46: {  	_ =	shalt  }
0x47: {  	_ =	shalt  }
0x48: {  	_ =	shalt  }
0x49: {  	_ =	shalt  }
0x4a: {  	_ =	shalt  }
0x4b: {  	_ =	shalt  }
0x4c: {  	_ =	shalt  }
0x4d: {  	_ =	shalt  }
0x4e: {  	_ =	shalt  }
0x4f: {  	_ =	shalt  }
0x50: {  	_ =	shalt  }
0x51: {  	_ =	shalt  }
0x52: {  	_ =	shalt  }
0x53: {  	_ =	shalt  }
0x54: {  	_ =	shalt  }
0x55: {  	_ =	shalt  }
0x56: {  	_ =	shalt  }
0x57: {  	_ =	shalt  }
0x58: {  	_ =	shalt  }
0x59: {  	_ =	shalt  }
0x5a: {  	_ =	shalt  }
0x5b: {  	_ =	shalt  }
0x5c: {  	_ =	shalt  }
0x5d: {  	_ =	shalt  }
0x5e: {  	_ =	shalt  }
0x5f: {  	_ =	shalt  }
0x60: {  	_ =	shalt  }
0x61: {  	_ =	shalt  }
0x62: {  	_ =	shalt  }
0x63: {  	_ =	shalt  }
0x64: {  	_ =	shalt  }
0x65: {  	_ =	shalt  }
0x66: {  	_ =	shalt  }
0x67: {  	_ =	shalt  }
0x68: {  	_ =	shalt  }
0x69: {  	_ =	shalt  }
0x6a: {  	_ =	shalt  }
0x6b: {  	_ =	shalt  }
0x6c: {  	_ =	shalt  }
0x6d: {  	_ =	shalt  }
0x6e: {  	_ =	shalt  }
0x6f: {  	_ =	shalt  }
0x70: {  	_ =	shalt  }
0x71: {  	_ =	shalt  }
0x72: {  	_ =	shalt  }
0x73: {  	_ =	shalt  }
0x74: {  	_ =	shalt  }
0x75: {  	_ =	shalt  }
0x76: {  	_ =	shalt  }
0x77: {  	_ =	shalt  }
0x78: {  	_ =	shalt  }
0x79: {  	_ =	shalt  }
0x7a: {  	_ =	shalt  }
0x7b: {  	_ =	shalt  }
0x7c: {  	_ =	shalt  }
0x7d: {  	_ =	shalt  }
0x7e: {  	_ =	shalt  }
0x7f: {  	_ =	shalt  }
0x80: {  	_ =	shalt  }
0x81: {  	_ =	shalt  }
0x82: {  	_ =	shalt  }
0x83: {  	_ =	shalt  }
0x84: {  	_ =	shalt  }
0x85: {  	_ =	shalt  }
0x86: {  	_ =	shalt  }
0x87: {  	_ =	shalt  }
.Lfunc_end0:
.L_simem_size_0:
called_computation_lowered:
.L_overlay_start_0:
0x88: {  	s2 =	sld [smem:$0x3FD9]  }
0x89: {  	s3 =	sld [smem:$0x3FFE];
	_ =	sdelay $0x1  }
0x8a: {  	s1 =	srdreg.scid  }
0x8b: {  	s0 =	sand.u32 $0x1, s1  }
0x8c: {  	s18 =	sshll.u32 s0, $0xA;
	s2 =	sadd.s32 s3, s2  }
0x8d: {  	s2 =	sadd.s32 s2, s18  }
0x8e: {  	[smem:$0x3FC7] =	sst s2  }
0x8f: {  	_ = 	snop  }
0x90: {  	s2 =	sld [smem:$0x3FC9]  }
0x91: {  	s19 =	sld [smem:$0x3FD0];
	(tm) =	ssettm $0x1  }
0x92: {  	s4 =	sld [smem:$0x3FFB];
	_ =	sdelay $0x3  }
0x93: {  	_ =	strace s4  }
0x94: {  	s4 =	sld [smem:$0x3FFC];
	_ =	sdelay $0x3  }
0x95: {  	_ =	strace s4  }
0x96: {  	s4 =	sld [smem:$0x3FFD];
	_ =	sdelay $0x3  }
0x97: {  	_ =	strace s4  }
0x98: {  	_ =	strace $0x8FFFFFFF  }
0x99: {  	s20 =	sld [smem:$0x3FDB];
	_ =	sdelay $0x1  }
0x9a: {  	s5 =	simm.s32 $_scs_section_size  }
0x9b: {  	s6 =	simm.s32 $_size__tile_overlayer_lowered;
	s7 =	simm.s32 $_tile_overlayer_lowered  }
0x9c: {  	s23 =	simm.s32 $0x1BFF;
	s22 =	sshll.u32 s7, $0x1;
	s4 =	sadd.s32 s5, s20  }
0x9d: {  	s8 =	simm.s32 $0x0;
	s21 =	sshll.u32 s6, $0x1;
	s6 =	sadd.s32 s22, s4  }
0x9e: {  	[timem:s8], [sflag:s23] =	dma.local [hbm:s6], s21  }
0x9f: {  	_ =	swait.ge [sflag:s23], s21  }
0xa0: {  	s5 =	ssub.s32 $0x0, s21;
	[sflag:s23] =	ssyncset.done $0x0  }
0xa1: {  	[sflag:s23] =	ssyncadd.s32 s5;
	_ =	sdelay $0x1  }
0xa2: {  	s24 =	simm.s32 $0x1B8B  }
0xa3: {  	_ =	swait.ge [sflag:s24], $0x1  }
0xa4: {  	[sflag:s24] =	ssyncset.done $0x0  }
0xa5: {  	s25 =	simm.s32 $0x1B8E;
	[sflag:s24] =	ssyncadd.s32 $0xFFFFFFFF  }
0xa6: {  	s26 =	simm.s32 $execute0_lowered;
	[smem:$0x3FD2] =	sst s25  }
0xa7: {  	s5 =	sshll.u32 s26, $0x1;
	_ =	strace $0x80000046;
	[dreg:$0x1] =	wrdreg $0xFFFFFFFF  }
0xa8: {  	s28 =	simm.s32 $_size_execute0_lowered;
	s4 =	sadd.s32 s4, s5;
	[dreg:$0x0] =	wrdreg $0x0  }
0xa9: {  	s5 =	sshll.u32 s28, $0x1;
	[dreg:$0x2] =	wrdreg s4  }
0xaa: {  	[dreg:$0x3] =	wrdreg s5  }
0xab: {  	[dreg:$0x4] =	wrdreg $0xC0  }
0xac: {  	_ =	task [dreg:s8], $0x5FFFF  }
0xad: {  	[dreg:$0x1] =	wrdreg $0xFFFFFFFF  }
0xae: {  	[dreg:$0x0] =	wrdreg $0x60  }
0xaf: {  	[dreg:$0x2] =	wrdreg s2  }
0xb0: {  	[dreg:$0x3] =	wrdreg s19  }
0xb1: {  	[dreg:$0x4] =	wrdreg $0x9  }
0xb2: {  	_ =	task.clear_ibuf [dreg:s8], $0x5FFFF;
	_ =	strace $0x90000046  }
0xb3: {  	s29 =	simm.s32 $0x9;
	_ =	strace $0x80000048  }
0xb4: {  	_ =	swait.ge [sflag:s29], $0x1  }
0xb5: {  	[sflag:s29] =	ssyncadd.s32 $0xFFFFFFFF  }
0xb6: {  	_ =	strace $0x90000048  }
0xb7: {  	_ =	sfence  }
0xb8: {  	s30 =	sld [smem:$0x0];
	_ =	sdelay $0x2  }
0xb9: {  	s31 =	sshll.u32 s1, $0xD;
	s1 =	sshrl.u32 s1, $0x2  }
0xba: {  	s3 =	sand.u32 $0x4000, s31;
	s1 =	sadd.s32 s1, s30  }
0xbb: {  	s0 =	sor.u32 s3, s0;
	s1 =	sshll.u32 s1, $0x11  }
0xbc: {  	s0 =	sor.u32 s1, s0  }
0xbd: {  	s0 =	sadd.s32 $0x8F2B, s0  }
0xbe: {  	[sflag:s0] =	ssyncadd.remote.s32 $0x1  }
0xbf: {  	_ =	sfence.sel $0xFFFF  }
0xc0: {  	[dreg:$0x0] =	wrdreg $0xFFFFFFFF;
	(pc) =	sbr.abs _section_cstart, $3  }
0xc1: {  	[dreg:$0x1] =	wrdreg $0xFFFFFFFF  }
0xc2: {  	_ =	task.clear_ibuf [dreg:s8], $0x2FFFF;
	_ =	strace $0x9FFFFFFF  }
0xc3: {  	(tm) =	ssettm $0x7FFFFFFF  }
tec
execute0_lowered:
.L_overlay_start_1:
0x0: {  	(tag) =	ssettag $0x1  }
0x1: {  	s0 =	srdreg.scid  }
0x2: {  	s12 =	sand.u32 $0x1, s0  }
0x3: {  	s0 =	stileid.u32;
	s1 =	sshll.u32 s12, $0x4  }
0x4: {  	s4 =	rddreg [dreg:$0x0];
	s7 =	sor.u32 s0, s1  }
0x5: {  	s11 =	rddreg [dreg:$0x1];
	s2 =	simm.s32 $0x0;
	s3 =	smul.u32 $0x3, s7  }
0x6: {  	[smem:$0x7FF] =	sst s2;
	s5 =	smul.u32 $0x2A000, s7  }
0x7: {  	s1 =	rddreg [dreg:$0x2];
	s13 =	sadd.s32 $0x1, s3  }
0x8: {  	_ =	strace $0x80000047;
	s3 =	sadd.s32 s4, s5;
	s30 =	smul.u32 $0xE000, s13  }
0x9: {  	[tilespmem:s2], [sflag:$0x1] =	stream.linear.gather [hbm4b:s3+s2], $0xE000, $0x38;
	[tilespmem:$0x1C000] =	vst v63  }
0xa: {  	s6 =	simm.s32 $0x1;
	s5 =	simm.s32 $0xE000;
	s4 =	sadd.s32 s4, s30  }
0xb: {  	[tilespmem:s5], [sflag:$0x2] =	stream.linear.gather [hbm4b:s4+s2], $0xE000, $0x38;
	[tilespmem:$0x1C000] =	vst v63  }
0xc: {  	s7 =	smul.u32 $0x5400, s7;
	_ =	swait.ge [sflag:s6], $0xE000  }
0xd: {  	[sflag:s6] =	ssyncset.done $0x0  }
0xe: {  	s8 =	simm.s32 $0x3;
	s7 =	sadd.s32 s11, s7;
	[sflag:s6] =	ssyncadd.s32 $0xFFFF2000  }
0xf: {  	[hbm4b:s7+s2] =	stream.linear.scatter [tilespmem:s2], [sflag:$0x3], $0xE000, $0x38;
	[tilespmem:$0x1C000] =	vst v63  }
0x10: {  	_ =	swait.ge [sflag:s8], $0xE000  }
0x11: {  	[sflag:s8] =	ssyncset.done $0x0  }
0x12: {  	s10 =	simm.s32 $0x2;
	s9 =	sadd.s32 $0x1C000, s3;
	[sflag:s8] =	ssyncadd.s32 $0xFFFF2000  }
0x13: {  	[tilespmem:s2], [sflag:$0x1] =	stream.linear.gather [hbm4b:s9+s2], $0xE000, $0x38;
	[tilespmem:$0x1C000] =	vst v63  }
0x14: {  	s13 =	smul.u32 $0x1C00, s13;
	_ =	swait.ge [sflag:s10], $0xE000  }
0x15: {  	s31 =	ssub.s32 $0x2, s12;
	[sflag:s10] =	ssyncset.done $0x0  }
0x16: {  	s14 =	sshrl.u32 s31, $0x1;
	s11 =	sadd.s32 s11, s13;
	[sflag:s10] =	ssyncadd.s32 $0xFFFF2000  }
0x17: {  	[hbm4b:s11+s2] =	stream.linear.scatter [tilespmem:s5], [sflag:$0x4], $0xE000, $0x38;
	[tilespmem:$0x1C000] =	vst v63  }
0x18: {  	s13 =	ssub.s32 s31, s14;
	_ =	swait.ge [sflag:s6], $0xE000  }
0x19: {  	s14 =	smax.u32 s13, $0x1;
	[sflag:s6] =	ssyncset.done $0x0  }
0x1a: {  	s12 =	sadd.s32 $0x3800, s7;
	p0 =	sne.s32 s14, $0x1;
	[sflag:s6] =	ssyncadd.s32 $0xFFFF2000  }
0x1b: {  	[hbm4b:s12+s2] =	stream.linear.scatter [tilespmem:s2], [sflag:$0x3], $0xE000, $0x38;
	[tilespmem:$0x1C000] =	vst v63  }
.Ltmp0:
0x1c: {  	_ =	swait.ge [sflag:s8], $0xE000;
	(pc) =	sbr.rel @!p0 .LBB2_2-.Ltmp0, $4  }
0x1d: {  	[sflag:s8] =	ssyncset.done $0x0  }
0x1e: {  	s13 =	simm.s32 $0x4;
	[sflag:s8] =	ssyncadd.s32 $0xFFFF2000  }
0x1f: {  	_ =	swait.ge [sflag:s13], $0xE000  }
0x20: {  	s14 =	sadd.s32 $0xFFFFFFFF, s14;
	[sflag:s13] =	ssyncset.done $0x0  }
.LBB2_1:
0x21: {  	p0 =	sne.s32 s14, $0x1;
	s14 =	sadd.s32 $0xFFFFFFFF, s14;
	[sflag:s13] =	ssyncadd.s32 $0xFFFF2000  }
0x22: {  	[tilespmem:s2], [sflag:$0x1] =	stream.linear.gather [hbm4b:s3+s2], $0xE000, $0x38;
	[tilespmem:$0x1C000] =	vst v63  }
0x23: {  	_ = 	snop  }
0x24: {  	[tilespmem:s5], [sflag:$0x2] =	stream.linear.gather [hbm4b:s4+s2], $0xE000, $0x38;
	[tilespmem:$0x1C000] =	vst v63  }
0x25: {  	_ =	swait.ge [sflag:s6], $0xE000  }
0x26: {  	[sflag:s6] =	ssyncset.done $0x0  }
0x27: {  	[sflag:s6] =	ssyncadd.s32 $0xFFFF2000  }
0x28: {  	[hbm4b:s7+s2] =	stream.linear.scatter [tilespmem:s2], [sflag:$0x3], $0xE000, $0x38;
	[tilespmem:$0x1C000] =	vst v63  }
0x29: {  	_ =	swait.ge [sflag:s8], $0xE000  }
0x2a: {  	[sflag:s8] =	ssyncset.done $0x0  }
0x2b: {  	[sflag:s8] =	ssyncadd.s32 $0xFFFF2000  }
0x2c: {  	[tilespmem:s2], [sflag:$0x1] =	stream.linear.gather [hbm4b:s9+s2], $0xE000, $0x38;
	[tilespmem:$0x1C000] =	vst v63  }
0x2d: {  	_ =	swait.ge [sflag:s10], $0xE000  }
0x2e: {  	[sflag:s10] =	ssyncset.done $0x0  }
0x2f: {  	[sflag:s10] =	ssyncadd.s32 $0xFFFF2000  }
0x30: {  	[hbm4b:s11+s2] =	stream.linear.scatter [tilespmem:s5], [sflag:$0x4], $0xE000, $0x38;
	[tilespmem:$0x1C000] =	vst v63  }
0x31: {  	_ =	swait.ge [sflag:s6], $0xE000  }
0x32: {  	[sflag:s6] =	ssyncset.done $0x0  }
0x33: {  	[sflag:s6] =	ssyncadd.s32 $0xFFFF2000  }
0x34: {  	[hbm4b:s12+s2] =	stream.linear.scatter [tilespmem:s2], [sflag:$0x3], $0xE000, $0x38;
	[tilespmem:$0x1C000] =	vst v63  }
.Ltmp1:
0x35: {  	_ =	swait.ge [sflag:s8], $0xE000;
	(pc) =	sbr.rel @p0 .LBB2_1-.Ltmp1, $4  }
0x36: {  	[sflag:s8] =	ssyncset.done $0x0  }
0x37: {  	[sflag:s8] =	ssyncadd.s32 $0xFFFF2000  }
0x38: {  	_ =	swait.ge [sflag:s13], $0xE000  }
0x39: {  	[sflag:s13] =	ssyncset.done $0x0  }
.LBB2_2:
0x3a: {  	[sflag:s13] =	ssyncadd.s32 $0xFFFF2000  }
0x3b: {  	_ =	sfence.sel $0x180000  }
0x3c: {  	[bflag:$0x0] =	sbarrier.arrive $0xFFFF  }
0x3d: {  	p0 =	sne.s32 s0, $0x0;
	_ =	strace $0x90000047  }
0x3e: {  	s0 =	sadd.s32 @!p0 $0x100000, s1;
	[bflag:$0x2] =	sbarrier.arrive $0xFFFF  }
0x3f: {  	[sflag:s0] =	ssyncadd.tile.s32 @!p0 $0x1;
	_ =	shalt  }
.Lfunc_end2:
_tile_overlayer_lowered:
.L_overlay_start_2:
0x40: {  	(tag) =	ssettag $0x2  }
0x41: {  	s0 =	rddreg [dreg:$0x0];
	s2 =	stileid.u32  }
0x42: {  	s1 =	rddreg [dreg:$0x1];
	p0 =	sne.s32 s2, $0x0  }
0x43: {  	s3 =	rddreg [dreg:$0x2];
	[bflag:$0x3] =	sbarrier.arrive $0xFFFF;
	s2 =	simm.s32 @!p0 $0x1C05  }
0x44: {  	[timem:s3], [sflag:s2] =	dma.local @!p0 [hbm:s0], s1  }
0x45: {  	s0 =	simm.s32 @!p0 $0x5  }
0x46: {  	_ =	swait.ge @!p0 [sflag:s0], s1  }
0x47: {  	s1 =	ssub.s32 @!p0 $0x0, s1;
	[sflag:s0] =	ssyncset.done @!p0 $0x0  }
0x48: {  	[sflag:s0] =	ssyncadd.s32 @!p0 s1  }
0x49: {  	[bflag:$0x3] =	sbarrier.arrive $0xFFFF  }
0x4a: {  	_ =	shalt  }

</sc_bundles>
